<compile_context>
chip_gen: v7x
topology: tpu7x:2x2x1
jax: 0.10.2.dev20260603
libtpu: 0.0.44.dev20260713+nightly
codegen_flags: <defaults>
</compile_context>

<pallas_src>
import functools

import jax
import jax.numpy as jnp
from jax import lax
from jax.experimental import pallas as pl
from jax.experimental.pallas import tpu as pltpu
from jax.experimental.pallas import tpu_sc as plsc

_N = 48
_TABLE = 14
_LANES = 16
_ROWS_PER_W = 4
_NWORK = _N // _ROWS_PER_W

_mesh = plsc.VectorSubcoreMesh(
    core_axis_name="c", subcore_axis_name="s", num_cores=1, num_subcores=_NWORK
)


@functools.partial(
    pl.kernel,
    mesh=_mesh,
    out_type=jax.ShapeDtypeStruct((_N, _N), jnp.float32),
    scratch_types=[
        pltpu.VMEM((_TABLE,), jnp.float32),
        pltpu.VMEM((_ROWS_PER_W, _N), jnp.int32),
        pltpu.VMEM((_ROWS_PER_W, _N), jnp.float32),
        pltpu.SemaphoreType.DMA,
        pltpu.SemaphoreType.DMA,
    ],
    compiler_params=pltpu.CompilerParams(
        needs_layout_passes=False,
        skip_device_barrier=True,
        disable_bounds_checks=True,
        disable_semaphore_checks=True,
    ),
)
def _sc_embed_lookup(emb_hbm, idx_hbm, out_hbm, emb_v, idx_v, out_v, sem_e, sem_i):
    wid = lax.axis_index("s")
    base = wid * _ROWS_PER_W
    cp_e = pltpu.make_async_copy(emb_hbm, emb_v, sem_e)
    cp_i = pltpu.make_async_copy(
        idx_hbm.at[pl.ds(base, _ROWS_PER_W), :], idx_v, sem_i
    )
    cp_e.start()
    cp_i.start()
    cp_e.wait()
    cp_i.wait()

    def row(r, _):
        for j in range(_N // _LANES):
            iv = idx_v[r, pl.ds(j * _LANES, _LANES)]
            out_v[r, pl.ds(j * _LANES, _LANES)] = plsc.load_gather(emb_v, [iv])
        return _

    lax.fori_loop(0, _ROWS_PER_W, row, None)
    pltpu.sync_copy(out_v, out_hbm.at[pl.ds(base, _ROWS_PER_W), :])


@jax.jit
def kernel(dist_embed, dist_matrix):
    return _sc_embed_lookup(dist_embed, dist_matrix.astype(jnp.int32))

# --- scband reference (transcript-rebuilt; emitter-appended) ---
"""Pipeline reference for scband-graph-distance-encoding-24713241822129 (READ-ONLY COPY).

The authoritative reference and input builder live on the scoring server;
editing this copy changes nothing except your own understanding.
"""

import jax, jax.numpy as jnp
import numpy as np
from collections import defaultdict

HAND_EDGES = [(0, 1), (0, 5), (0, 9), (0, 13), (0, 17), (1, 2), (2, 3), (3, 4), (5, 6), (6, 7), (7, 8), (9, 10), (10, 11), (11, 12), (13, 14), (14, 15), (15, 16), (17, 18), (18, 19), (19, 20), (5, 9), (9, 13), (13, 17)]
POSE_EDGES = [(42, 43), (42, 44), (43, 45), (44, 46), (45, 47), (46, 0), (47, 21)]

MAX_DIST = 12
NUM_NODES = 48


def _compute_shortest_path_distances(n=48):
    adj_list = defaultdict(set)
    for i, j in HAND_EDGES:
        adj_list[i].add(j)
        adj_list[j].add(i)
    for i, j in HAND_EDGES:
        adj_list[i + 21].add(j + 21)
        adj_list[j + 21].add(i + 21)
    for i, j in POSE_EDGES:
        adj_list[i].add(j)
        adj_list[j].add(i)
    dist = np.full((n, n), n + 1, dtype=np.int32)
    for src in range(n):
        dist[src, src] = 0
        queue = [src]
        visited = {src}
        d = 0
        while queue:
            next_queue = []
            d += 1
            for node in queue:
                for nb in adj_list[node]:
                    if nb not in visited:
                        visited.add(nb)
                        dist[src, nb] = d
                        next_queue.append(nb)
            queue = next_queue
    return dist


def setup_inputs(seed: int = 0) -> dict:
    key = jax.random.key(seed)
    dist_embed = jax.random.uniform(key, (MAX_DIST + 2,), minval=-0.1, maxval=0.1, dtype=jnp.float32)
    dist_embed = dist_embed.at[0].set(1.0)
    dm = _compute_shortest_path_distances(NUM_NODES)
    dm = np.clip(dm, 0, MAX_DIST + 1).astype(np.int64)
    dist_matrix = jnp.asarray(dm)
    return {"dist_embed": dist_embed, "dist_matrix": dist_matrix}


def reference(dist_embed, dist_matrix):
    # B_ij = e_{d(i,j)} : gather from learnable 1-D embedding by distance index
    return jnp.take(dist_embed, dist_matrix, axis=0)

if __name__ == "__main__":
    import jax
    _d = setup_inputs()
    print(jax.jit(kernel)(*tuple(_d.values())))

</pallas_src>

<mosaic_0001>
#map = affine_map<(d0, d1) -> (0)>
#map1 = affine_map<(d0, d1) -> (0, 0)>
module attributes {stable_mosaic.version = 14 : i64} {
  func.func @_sc_embed_lookup(%arg0: i32, %arg1: i32, %arg2: memref<14xf32, #tpu.memory_space<hbm>>, %arg3: memref<48x48xi32, #tpu.memory_space<hbm>>, %arg4: memref<48x48xf32, #tpu.memory_space<hbm>>, %arg5: memref<14xf32, #tpu.memory_space<vmem>>, %arg6: memref<4x48xi32, #tpu.memory_space<vmem>>, %arg7: memref<4x48xf32, #tpu.memory_space<vmem>>, %arg8: memref<!tpu.dma_semaphore, #tpu.memory_space<semaphore_mem>>, %arg9: memref<!tpu.dma_semaphore, #tpu.memory_space<semaphore_mem>>) attributes {dimension_semantics = [#tpu.dimension_semantics<core_parallel>, #tpu.dimension_semantics<subcore_parallel>], iteration_bounds = array<i64: 1, 12>, scalar_prefetch = 0 : i64, scratch_operands = 5 : i64, tpu.core_type = #tpu.core_type<sc_vector_subcore>, window_params = [{transform_indices = #map}, {transform_indices = #map1}, {transform_indices = #map1}]} {
    %mul3A = arith.constant 4 : i32
    %mul3A_0 = arith.muli %arg1, %mul3A : i32
    tpu.enqueue_dma source(%arg2 : memref<14xf32, #tpu.memory_space<hbm>>) target(%arg5 : memref<14xf32, #tpu.memory_space<vmem>>) target_semaphore(%arg8 : memref<!tpu.dma_semaphore, #tpu.memory_space<semaphore_mem>>)
    %dma_start3A = arith.constant 0 : i32
    %dma_start3A_1 = tpu.memref_slice %arg3[%mul3A_0, %dma_start3A] : memref<48x48xi32, #tpu.memory_space<hbm>> -> memref<4x48xi32, #tpu.memory_space<hbm>>
    %dma_start3A_2 = arith.constant 0 : i32
    %dma_start3A_3 = tpu.memref_slice %arg3[%mul3A_0, %dma_start3A_2] : memref<48x48xi32, #tpu.memory_space<hbm>> -> memref<4x48xi32, #tpu.memory_space<hbm>>
    tpu.enqueue_dma source(%dma_start3A_3 : memref<4x48xi32, #tpu.memory_space<hbm>>) target(%arg6 : memref<4x48xi32, #tpu.memory_space<vmem>>) target_semaphore(%arg9 : memref<!tpu.dma_semaphore, #tpu.memory_space<semaphore_mem>>)
    tpu.wait_dma2 semaphore(%arg8 : memref<!tpu.dma_semaphore, #tpu.memory_space<semaphore_mem>>) src(%arg2 : memref<14xf32, #tpu.memory_space<hbm>>) dst(%arg5 : memref<14xf32, #tpu.memory_space<vmem>>)
    %dma_wait3A = arith.constant 0 : i32
    %dma_wait3A_4 = tpu.memref_slice %arg3[%mul3A_0, %dma_wait3A] : memref<48x48xi32, #tpu.memory_space<hbm>> -> memref<4x48xi32, #tpu.memory_space<hbm>>
    %dma_wait3A_5 = arith.constant 0 : i32
    %dma_wait3A_6 = tpu.memref_slice %arg3[%mul3A_0, %dma_wait3A_5] : memref<48x48xi32, #tpu.memory_space<hbm>> -> memref<4x48xi32, #tpu.memory_space<hbm>>
    tpu.wait_dma2 semaphore(%arg9 : memref<!tpu.dma_semaphore, #tpu.memory_space<semaphore_mem>>) src(%dma_wait3A_6 : memref<4x48xi32, #tpu.memory_space<hbm>>) dst(%arg6 : memref<4x48xi32, #tpu.memory_space<vmem>>)
    %scan3A = arith.constant 0 : i32
    %scan3A_7 = arith.constant 4 : i32
    %scan3A_8 = arith.addi %scan3A, %scan3A_7 : i32
    %scan3A_9 = arith.constant 1 : i32
    scf.for %scan3A_11 = %scan3A to %scan3A_8 step %scan3A_9  : i32 {
      %get3A = arith.index_cast %scan3A_11 : i32 to index
      %get3A_12 = arith.constant 0 : index
      %get3A_13 = tpu.vector_load %arg6[%get3A, %get3A_12] {strides = array<i32>} : memref<4x48xi32, #tpu.memory_space<vmem>>, vector<16xi32>,
      %gather3A = tpu.vector_load_idx %arg5[%get3A_13] : memref<14xf32, #tpu.memory_space<vmem>>[vector<16xi32>], vector<16xf32>,
      %swap3A = arith.index_cast %scan3A_11 : i32 to index
      %swap3A_14 = arith.constant 0 : index
      %swap3A_15 = tpu.vector_load %arg7[%swap3A, %swap3A_14] {strides = array<i32>} : memref<4x48xf32, #tpu.memory_space<vmem>>, vector<16xf32>,
      tpu.vector_store %arg7[%swap3A, %swap3A_14], %gather3A {strides = array<i32>} : memref<4x48xf32, #tpu.memory_space<vmem>>, vector<16xf32>,
      %get3A_16 = arith.index_cast %scan3A_11 : i32 to index
      %get3A_17 = arith.constant 16 : index
      %get3A_18 = tpu.vector_load %arg6[%get3A_16, %get3A_17] {strides = array<i32>} : memref<4x48xi32, #tpu.memory_space<vmem>>, vector<16xi32>,
      %gather3A_19 = tpu.vector_load_idx %arg5[%get3A_18] : memref<14xf32, #tpu.memory_space<vmem>>[vector<16xi32>], vector<16xf32>,
      %swap3A_20 = arith.index_cast %scan3A_11 : i32 to index
      %swap3A_21 = arith.constant 16 : index
      %swap3A_22 = tpu.vector_load %arg7[%swap3A_20, %swap3A_21] {strides = array<i32>} : memref<4x48xf32, #tpu.memory_space<vmem>>, vector<16xf32>,
      tpu.vector_store %arg7[%swap3A_20, %swap3A_21], %gather3A_19 {strides = array<i32>} : memref<4x48xf32, #tpu.memory_space<vmem>>, vector<16xf32>,
      %get3A_23 = arith.index_cast %scan3A_11 : i32 to index
      %get3A_24 = arith.constant 32 : index
      %get3A_25 = tpu.vector_load %arg6[%get3A_23, %get3A_24] {strides = array<i32>} : memref<4x48xi32, #tpu.memory_space<vmem>>, vector<16xi32>,
      %gather3A_26 = tpu.vector_load_idx %arg5[%get3A_25] : memref<14xf32, #tpu.memory_space<vmem>>[vector<16xi32>], vector<16xf32>,
      %swap3A_27 = arith.index_cast %scan3A_11 : i32 to index
      %swap3A_28 = arith.constant 32 : index
      %swap3A_29 = tpu.vector_load %arg7[%swap3A_27, %swap3A_28] {strides = array<i32>} : memref<4x48xf32, #tpu.memory_space<vmem>>, vector<16xf32>,
      tpu.vector_store %arg7[%swap3A_27, %swap3A_28], %gather3A_26 {strides = array<i32>} : memref<4x48xf32, #tpu.memory_space<vmem>>, vector<16xf32>,
    }
    %scan3A_10 = arith.constant 4 : i32
    "tpu.region"() ({
      %run_scoped3A = tpu.sem_alloc : memref<!tpu.dma_semaphore, #tpu.memory_space<semaphore_mem>>
      %dma_start3A_11 = arith.constant 0 : i32
      %dma_start3A_12 = tpu.memref_slice %arg4[%mul3A_0, %dma_start3A_11] : memref<48x48xf32, #tpu.memory_space<hbm>> -> memref<4x48xf32, #tpu.memory_space<hbm>>
      %dma_start3A_13 = arith.constant 0 : i32
      %dma_start3A_14 = tpu.memref_slice %arg4[%mul3A_0, %dma_start3A_13] : memref<48x48xf32, #tpu.memory_space<hbm>> -> memref<4x48xf32, #tpu.memory_space<hbm>>
      tpu.enqueue_dma source(%arg7 : memref<4x48xf32, #tpu.memory_space<vmem>>) target(%dma_start3A_14 : memref<4x48xf32, #tpu.memory_space<hbm>>) target_semaphore(%run_scoped3A : memref<!tpu.dma_semaphore, #tpu.memory_space<semaphore_mem>>)
      %dma_wait3A_15 = arith.constant 0 : i32
      %dma_wait3A_16 = tpu.memref_slice %arg4[%mul3A_0, %dma_wait3A_15] : memref<48x48xf32, #tpu.memory_space<hbm>> -> memref<4x48xf32, #tpu.memory_space<hbm>>
      %dma_wait3A_17 = arith.constant 0 : i32
      %dma_wait3A_18 = tpu.memref_slice %arg4[%mul3A_0, %dma_wait3A_17] : memref<48x48xf32, #tpu.memory_space<hbm>> -> memref<4x48xf32, #tpu.memory_space<hbm>>
      tpu.wait_dma2 semaphore(%run_scoped3A : memref<!tpu.dma_semaphore, #tpu.memory_space<semaphore_mem>>) src(%arg7 : memref<4x48xf32, #tpu.memory_space<vmem>>) dst(%dma_wait3A_18 : memref<4x48xf32, #tpu.memory_space<hbm>>)
      tpu.yield
    }) : () -> ()
    return
  }
}

</mosaic_0001>

<sc_bundles>
// kernel: kernel.3.cloned.1.call-start
scs
__scs_entry_jumppad:
0x0: {  	(pc) =	sbr.rel $0x88, $3  }
0x1: {  	(tag) =	ssettag $0x0;
	lr =	simm.s32 $0x1  }
0x2: {  	[smem:$0x3F9F] =	sst lr;
	_ =	strace $0xD0000000  }
0x3: {  	_ = 	snop  }
0x4: {  	_ = 	snop  }
0x5: {  	_ = 	snop  }
0x6: {  	_ = 	snop  }
0x7: {  	_ = 	snop  }
__scs_overlays_trampoline_lowered:
0x8: {  	[smem:$0x3FAE] =	sst s0  }
0x9: {  	[smem:$0x3FAF] =	sst s1  }
0xa: {  	[smem:$0x3FB0] =	sst s2  }
0xb: {  	[smem:$0x3FB1] =	sst s3  }
0xc: {  	[smem:$0x3FB2] =	sst s4  }
0xd: {  	[smem:$0x3FB3] =	sst s5  }
0xe: {  	[smem:$0x3FB4] =	sst s6  }
0xf: {  	[smem:$0x3FB5] =	sst s7  }
0x10: {  	[smem:$0x3FB6] =	sst s8  }
0x11: {  	[smem:$0x3FB7] =	sst s9;
	s0 =	simm.s32 @!p0 $0x0  }
0x12: {  	s1 =	sld [smem:$0x3F9D];
	s0 =	simm.s32 @p0 $0x1  }
0x13: {  	[smem:$0x3FB8] =	sst s0;
	s0 =	simm.s32 @!p1 $0x0  }
0x14: {  	s2 =	sld [smem:$0x3F9C];
	s0 =	simm.s32 @p1 $0x1  }
0x15: {  	[smem:$0x3FB9] =	sst s0;
	s0 =	simm.s32 @!p2 $0x0  }
0x16: {  	s3 =	sld [smem:$0x3FDB];
	s0 =	simm.s32 @p2 $0x1  }
0x17: {  	s4 =	simm.s32 $0x1BF5;
	[smem:$0x3FBB] =	sst s0  }
0x18: {  	s0 =	sld [smem:$0x3F9E];
	_ =	swait.ge [sflag:s4], $0x0  }
0x19: {  	s7 =	sld [smem:$0x3F9F]  }
0x1a: {  	s8 =	sadd.s32 $0xFFFFE003, lr  }
0x1b: {  	s9 =	sadd.s32 $0xFFFFFEF7, lr;
	s5 =	simm.s32 $0xFFFFFFFF;
	p2 =	slt.u32 s8, $0xFFFFF086  }
0x1c: {  	p1 =	slt.u32 s9, $0xF7A;
	s5 =	simm.s32 @!p2 $0x0  }
0x1d: {  	s5 =	simm.s32 @p1 $0x1;
	p0 =	seq.s32 s7, s2  }
0x1e: {  	s7 =	smul.u32 @!p0 $0xF7A, s2;
	p2 =	seq.s32 @!p0 s5, $0x0  }
0x1f: {  	s9 =	smul.u32 $0xF7A, s1;
	s8 =	simm.s32 @!p0 $0x1BF5;
	p2 =	por !p2, p0  }
0x20: {  	[sflag:s8] =	ssyncset.s32 @!p0 $0xFFFFF086;
	s6 =	sadd.s32 @!p0 s3, s7;
	s7 =	simm.s32 @!p0 $0x108  }
0x21: {  	s3 =	sadd.s32 s3, s9;
	s6 =	sadd.s32 @!p0 $0x88, s6;
	s7 =	simm.s32 @p2 $0x1082  }
0x22: {  	[simem:s7], [sflag:s8] =	dma.local @!p0 [hbm:s6], $0xF7A  }
0x23: {  	s9 =	sor.u32 $0xD0000000, s2;
	s6 =	simm.s32 $0x108;
	_ =	swait.ge @!p0 [sflag:s8], $0x0  }
0x24: {  	s3 =	sadd.s32 $0x88, s3;
	s6 =	simm.s32 @!p1 $0x1082;
	[sflag:s4] =	ssyncset.s32 $0xFFFFF086  }
0x25: {  	[simem:s6], [sflag:s4] =	dma.local [hbm:s3], $0xF7A  }
0x26: {  	[smem:$0x3F9F] =	sst s1;
	(tag) =	ssettag s2;
	_ =	strace s9  }
0x27: {  	s1 =	sld [smem:$0x3FAF]  }
0x28: {  	s2 =	sld [smem:$0x3FB0]  }
0x29: {  	s4 =	sld [smem:$0x3FB2]  }
0x2a: {  	p0 =	seq.s32 s5, $0x0;
	s5 =	sld [smem:$0x3FB3]  }
0x2b: {  	s6 =	sld [smem:$0x3FB4]  }
0x2c: {  	s7 =	sld [smem:$0x3FB5]  }
0x2d: {  	s3 =	simm.s32 $0x108;
	s8 =	sld [smem:$0x3FB6]  }
0x2e: {  	s3 =	simm.s32 @!p0 $0x1082;
	s9 =	sld [smem:$0x3FB7]  }
0x2f: {  	lr =	sadd.s32 s0, s3;
	s0 =	sld [smem:$0x3FAE]  }
0x30: {  	s3 =	sld [smem:$0x3FB1]  }
0x31: {  	[smem:$0x3FBA] =	sst s10  }
0x32: {  	s10 =	sld [smem:$0x3FB8];
	_ =	sdelay $0x3  }
0x33: {  	p0 =	seq.s32 s10, $0x1;
	s10 =	sld [smem:$0x3FBA];
	_ =	sdelay $0x3  }
0x34: {  	[smem:$0x3FBA] =	sst s10  }
0x35: {  	s10 =	sld [smem:$0x3FB9];
	_ =	sdelay $0x3  }
0x36: {  	p1 =	seq.s32 s10, $0x1;
	s10 =	sld [smem:$0x3FBA];
	_ =	sdelay $0x3  }
0x37: {  	[smem:$0x3FBA] =	sst s10  }
0x38: {  	s10 =	sld [smem:$0x3FBB]  }
0x39: {  	_ = 	snop;
	(pc) =	sbr.ind lr, $3  }
0x3a: {  	_ = 	snop  }
0x3b: {  	_ = 	snop  }
0x3c: {  	p2 =	seq.s32 s10, $0x1;
	s10 =	sld [smem:$0x3FBA]  }
0x3d: {  	_ =	shalt  }
0x3e: {  	_ =	shalt  }
0x3f: {  	_ =	shalt  }
0x40: {  	_ =	shalt  }
0x41: {  	_ =	shalt  }
0x42: {  	_ =	shalt  }
0x43: {  	_ =	shalt  }
0x44: {  	_ =	shalt  }
0x45: {  	_ =	shalt  }
0x46: {  	_ =	shalt  }
0x47: {  	_ =	shalt  }
0x48: {  	_ =	shalt  }
0x49: {  	_ =	shalt  }
0x4a: {  	_ =	shalt  }
0x4b: {  	_ =	shalt  }
0x4c: {  	_ =	shalt  }
0x4d: {  	_ =	shalt  }
0x4e: {  	_ =	shalt  }
0x4f: {  	_ =	shalt  }
0x50: {  	_ =	shalt  }
0x51: {  	_ =	shalt  }
0x52: {  	_ =	shalt  }
0x53: {  	_ =	shalt  }
0x54: {  	_ =	shalt  }
0x55: {  	_ =	shalt  }
0x56: {  	_ =	shalt  }
0x57: {  	_ =	shalt  }
0x58: {  	_ =	shalt  }
0x59: {  	_ =	shalt  }
0x5a: {  	_ =	shalt  }
0x5b: {  	_ =	shalt  }
0x5c: {  	_ =	shalt  }
0x5d: {  	_ =	shalt  }
0x5e: {  	_ =	shalt  }
0x5f: {  	_ =	shalt  }
0x60: {  	_ =	shalt  }
0x61: {  	_ =	shalt  }
0x62: {  	_ =	shalt  }
0x63: {  	_ =	shalt  }
0x64: {  	_ =	shalt  }
0x65: {  	_ =	shalt  }
0x66: {  	_ =	shalt  }
0x67: {  	_ =	shalt  }
0x68: {  	_ =	shalt  }
0x69: {  	_ =	shalt  }
0x6a: {  	_ =	shalt  }
0x6b: {  	_ =	shalt  }
0x6c: {  	_ =	shalt  }
0x6d: {  	_ =	shalt  }
0x6e: {  	_ =	shalt  }
0x6f: {  	_ =	shalt  }
0x70: {  	_ =	shalt  }
0x71: {  	_ =	shalt  }
0x72: {  	_ =	shalt  }
0x73: {  	_ =	shalt  }
0x74: {  	_ =	shalt  }
0x75: {  	_ =	shalt  }
0x76: {  	_ =	shalt  }
0x77: {  	_ =	shalt  }
0x78: {  	_ =	shalt  }
0x79: {  	_ =	shalt  }
0x7a: {  	_ =	shalt  }
0x7b: {  	_ =	shalt  }
0x7c: {  	_ =	shalt  }
0x7d: {  	_ =	shalt  }
0x7e: {  	_ =	shalt  }
0x7f: {  	_ =	shalt  }
0x80: {  	_ =	shalt  }
0x81: {  	_ =	shalt  }
0x82: {  	_ =	shalt  }
0x83: {  	_ =	shalt  }
0x84: {  	_ =	shalt  }
0x85: {  	_ =	shalt  }
0x86: {  	_ =	shalt  }
0x87: {  	_ =	shalt  }
.Lfunc_end0:
.L_simem_size_0:
called_computation_lowered:
.L_overlay_start_0:
0x88: {  	s0 =	sld [smem:$0x3FD9]  }
0x89: {  	s1 =	sld [smem:$0x3FFE];
	_ =	sdelay $0x3  }
0x8a: {  	s0 =	sadd.s32 s1, s0  }
0x8b: {  	[smem:$0x3FC6] =	sst s0  }
0x8c: {  	_ = 	snop  }
0x8d: {  	s0 =	sld [smem:$0x3FC9]  }
0x8e: {  	s17 =	sld [smem:$0x3FC8]  }
0x8f: {  	s2 =	sld [smem:$0x3FD0];
	(tm) =	ssettm $0x1  }
0x90: {  	s3 =	sld [smem:$0x3FFB];
	_ =	sdelay $0x3  }
0x91: {  	_ =	strace s3  }
0x92: {  	s3 =	sld [smem:$0x3FFC];
	_ =	sdelay $0x3  }
0x93: {  	_ =	strace s3  }
0x94: {  	s3 =	sld [smem:$0x3FFD];
	_ =	sdelay $0x3  }
0x95: {  	_ =	strace s3  }
0x96: {  	_ =	strace $0x8FFFFFFF  }
0x97: {  	s18 =	sld [smem:$0x3FDB];
	_ =	sdelay $0x1  }
0x98: {  	s4 =	simm.s32 $_scs_section_size  }
0x99: {  	s5 =	simm.s32 $_size__tile_overlayer_lowered;
	s6 =	simm.s32 $_tile_overlayer_lowered  }
0x9a: {  	s21 =	simm.s32 $0x1BFF;
	s20 =	sshll.u32 s6, $0x1;
	s3 =	sadd.s32 s4, s18  }
0x9b: {  	s7 =	simm.s32 $0x0;
	s19 =	sshll.u32 s5, $0x1;
	s5 =	sadd.s32 s20, s3  }
0x9c: {  	[timem:s7], [sflag:s21] =	dma.local [hbm:s5], s19  }
0x9d: {  	_ =	swait.ge [sflag:s21], s19  }
0x9e: {  	s4 =	ssub.s32 $0x0, s19;
	[sflag:s21] =	ssyncset.done $0x0  }
0x9f: {  	[sflag:s21] =	ssyncadd.s32 s4;
	_ =	sdelay $0x1  }
0xa0: {  	s22 =	simm.s32 $0x1B8B  }
0xa1: {  	_ =	swait.ge [sflag:s22], $0x1  }
0xa2: {  	[sflag:s22] =	ssyncset.done $0x0  }
0xa3: {  	s23 =	simm.s32 $0x1B8E;
	[sflag:s22] =	ssyncadd.s32 $0xFFFFFFFF  }
0xa4: {  	s24 =	simm.s32 $execute0_lowered;
	[smem:$0x3FD2] =	sst s23  }
0xa5: {  	s4 =	sshll.u32 s24, $0x1;
	_ =	strace $0x80000046;
	[dreg:$0x1] =	wrdreg $0xFFFFFFFF  }
0xa6: {  	s25 =	simm.s32 $_size_execute0_lowered;
	s3 =	sadd.s32 s3, s4;
	[dreg:$0x0] =	wrdreg $0x0  }
0xa7: {  	s4 =	sshll.u32 s25, $0x1;
	[dreg:$0x2] =	wrdreg s3  }
0xa8: {  	[dreg:$0x3] =	wrdreg s4  }
0xa9: {  	[dreg:$0x4] =	wrdreg $0xC0  }
0xaa: {  	_ =	task [dreg:s7], $0x5FFFF  }
0xab: {  	[dreg:$0x1] =	wrdreg $0xFFFFFFFF  }
0xac: {  	[dreg:$0x0] =	wrdreg $0x60  }
0xad: {  	[dreg:$0x2] =	wrdreg s0  }
0xae: {  	[dreg:$0x3] =	wrdreg s17  }
0xaf: {  	[dreg:$0x4] =	wrdreg s2  }
0xb0: {  	[dreg:$0x5] =	wrdreg $0x9  }
0xb1: {  	_ =	task.clear_ibuf [dreg:s7], $0x6FFFF;
	_ =	strace $0x90000046  }
0xb2: {  	s26 =	simm.s32 $0x9;
	_ =	strace $0x80000048  }
0xb3: {  	_ =	swait.ge [sflag:s26], $0x1  }
0xb4: {  	[sflag:s26] =	ssyncadd.s32 $0xFFFFFFFF  }
0xb5: {  	_ =	strace $0x90000048  }
0xb6: {  	_ =	sfence  }
0xb7: {  	s28 =	sld [smem:$0x0];
	_ =	sdelay $0x1  }
0xb8: {  	s29 =	srdreg.scid  }
0xb9: {  	s30 =	sshll.u32 s29, $0xD;
	s31 =	sshrl.u32 s29, $0x2  }
0xba: {  	s1 =	sand.u32 $0x1, s29;
	s2 =	sand.u32 $0x4000, s30;
	s0 =	sadd.s32 s31, s28  }
0xbb: {  	s1 =	sor.u32 s2, s1;
	s0 =	sshll.u32 s0, $0x11  }
0xbc: {  	s0 =	sor.u32 s0, s1  }
0xbd: {  	s0 =	sadd.s32 $0x8F2B, s0  }
0xbe: {  	[sflag:s0] =	ssyncadd.remote.s32 $0x1  }
0xbf: {  	_ =	sfence.sel $0xFFFF  }
0xc0: {  	[dreg:$0x0] =	wrdreg $0xFFFFFFFF;
	(pc) =	sbr.abs _section_cstart, $3  }
0xc1: {  	[dreg:$0x1] =	wrdreg $0xFFFFFFFF  }
0xc2: {  	_ =	task.clear_ibuf [dreg:s7], $0x2FFFF;
	_ =	strace $0x9FFFFFFF  }
0xc3: {  	(tm) =	ssettm $0x7FFFFFFF  }
tec
execute0_lowered:
.L_overlay_start_1:
0x0: {  	(tag) =	ssettag $0x1  }
0x1: {  	s2 =	rddreg [dreg:$0x0]  }
0x2: {  	s3 =	rddreg [dreg:$0x1]  }
0x3: {  	s4 =	rddreg [dreg:$0x2]  }
0x4: {  	s0 =	rddreg [dreg:$0x3];
	s5 =	simm.s32 $0x0;
	s1 =	stileid.u32  }
0x5: {  	[smem:$0x7FF] =	sst s5;
	p0 =	sgt.u32 s1, $0xB  }
0x6: {  	_ =	strace $0x80000047;
	s5 =	sshll.u32 @!p0 s1, $0x6;
	s6 =	simm.s32 @!p0 $0x0  }
0x7: {  	[tilespmem:s6], [sflag:$0x1] =	stream.linear.gather @!p0 [hbm4b:s2+s6], $0x80, $0x38;
	[tilespmem:$0x480] =	vst v63  }
0x8: {  	s2 =	sadd.s32 @!p0 s3, s5;
	s3 =	simm.s32 @!p0 $0x80  }
0x9: {  	[tilespmem:s3], [sflag:$0x2] =	stream.linear.gather @!p0 [hbm4b:s2+s6], $0x200, $0x38;
	[tilespmem:$0x480] =	vst v63  }
0xa: {  	s2 =	simm.s32 @!p0 $0x1  }
0xb: {  	_ =	swait.ge @!p0 [sflag:s2], $0x80  }
0xc: {  	[sflag:s2] =	ssyncset.done @!p0 $0x0  }
0xd: {  	[sflag:s2] =	ssyncadd.s32 @!p0 $0xFFFFFF80;
	s2 =	simm.s32 @!p0 $0x2  }
0xe: {  	_ =	swait.ge @!p0 [sflag:s2], $0x200  }
0xf: {  	[sflag:s2] =	ssyncset.done @!p0 $0x0  }
0x10: {  	[sflag:s2] =	ssyncadd.s32 @!p0 $0xFFFFFE00  }
0x11: {  	v0 =	vld @!p0 [tilespmem:$0x80];
	_ =	sdelay $0x5  }
0x12: {  	v1 =	vld @!p0 [tilespmem:$0x90];
	_ =	sdelay $0x1  }
0x13: {  	v0 =	vld.idx.msk @!p0 [tilespmem:v0+s6+$0x0], $0xffff;
	_ =	sdelay $0x3  }
0x14: {  	v2 =	vld @!p0 [tilespmem:$0xA0]  }
0x15: {  	[tilespmem:$0x280] =	vst @!p0 v0  }
0x16: {  	v0 =	vld.idx.msk @!p0 [tilespmem:v1+s6+$0x0], $0xffff;
	_ =	sdelay $0x3  }
0x17: {  	v1 =	vld @!p0 [tilespmem:$0x100]  }
0x18: {  	[tilespmem:$0x290] =	vst @!p0 v0  }
0x19: {  	v0 =	vld.idx.msk @!p0 [tilespmem:v2+s6+$0x0], $0xffff;
	_ =	sdelay $0x3  }
0x1a: {  	v2 =	vld @!p0 [tilespmem:$0x110]  }
0x1b: {  	[tilespmem:$0x2A0] =	vst @!p0 v0  }
0x1c: {  	v0 =	vld.idx.msk @!p0 [tilespmem:v1+s6+$0x0], $0xffff;
	_ =	sdelay $0x3  }
0x1d: {  	v1 =	vld @!p0 [tilespmem:$0x120]  }
0x1e: {  	[tilespmem:$0x300] =	vst @!p0 v0  }
0x1f: {  	v0 =	vld.idx.msk @!p0 [tilespmem:v2+s6+$0x0], $0xffff;
	_ =	sdelay $0x3  }
0x20: {  	v2 =	vld @!p0 [tilespmem:$0x180]  }
0x21: {  	[tilespmem:$0x310] =	vst @!p0 v0  }
0x22: {  	v0 =	vld.idx.msk @!p0 [tilespmem:v1+s6+$0x0], $0xffff;
	_ =	sdelay $0x3  }
0x23: {  	v1 =	vld @!p0 [tilespmem:$0x190]  }
0x24: {  	[tilespmem:$0x320] =	vst @!p0 v0  }
0x25: {  	v0 =	vld.idx.msk @!p0 [tilespmem:v2+s6+$0x0], $0xffff;
	_ =	sdelay $0x3  }
0x26: {  	v2 =	vld @!p0 [tilespmem:$0x1A0]  }
0x27: {  	[tilespmem:$0x380] =	vst @!p0 v0  }
0x28: {  	v0 =	vld.idx.msk @!p0 [tilespmem:v1+s6+$0x0], $0xffff;
	_ =	sdelay $0x3  }
0x29: {  	v1 =	vld @!p0 [tilespmem:$0x200]  }
0x2a: {  	[tilespmem:$0x390] =	vst @!p0 v0  }
0x2b: {  	v0 =	vld.idx.msk @!p0 [tilespmem:v2+s6+$0x0], $0xffff;
	_ =	sdelay $0x3  }
0x2c: {  	v2 =	vld @!p0 [tilespmem:$0x210]  }
0x2d: {  	[tilespmem:$0x3A0] =	vst @!p0 v0  }
0x2e: {  	v0 =	vld.idx.msk @!p0 [tilespmem:v1+s6+$0x0], $0xffff;
	_ =	sdelay $0x3  }
0x2f: {  	v1 =	vld @!p0 [tilespmem:$0x220]  }
0x30: {  	[tilespmem:$0x400] =	vst @!p0 v0  }
0x31: {  	v0 =	vld.idx.msk @!p0 [tilespmem:v2+s6+$0x0], $0xffff;
	_ =	sdelay $0x4  }
0x32: {  	[tilespmem:$0x410] =	vst @!p0 v0  }
0x33: {  	v0 =	vld.idx.msk @!p0 [tilespmem:v1+s6+$0x0], $0xffff;
	_ =	sdelay $0x4  }
0x34: {  	s3 =	simm.s32 @!p0 $0x280;
	s2 =	sadd.s32 @!p0 s4, s5;
	[tilespmem:$0x420] =	vst @!p0 v0  }
0x35: {  	[hbm4b:s2+s6] =	stream.linear.scatter @!p0 [tilespmem:s3], [sflag:$0x3], $0x200, $0x38;
	[tilespmem:$0x480] =	vst v63  }
0x36: {  	s2 =	simm.s32 @!p0 $0x3  }
0x37: {  	_ =	swait.ge @!p0 [sflag:s2], $0x200  }
0x38: {  	[sflag:s2] =	ssyncset.done @!p0 $0x0  }
0x39: {  	[sflag:s2] =	ssyncadd.s32 @!p0 $0xFFFFFE00  }
0x3a: {  	_ =	sfence.sel $0x180000  }
0x3b: {  	[bflag:$0x0] =	sbarrier.arrive $0xFFFF  }
0x3c: {  	p0 =	sne.s32 s1, $0x0;
	_ =	strace $0x90000047  }
0x3d: {  	s0 =	sadd.s32 @!p0 $0x100000, s0;
	[bflag:$0x2] =	sbarrier.arrive $0xFFFF  }
0x3e: {  	[sflag:s0] =	ssyncadd.tile.s32 @!p0 $0x1;
	_ =	shalt  }
.Lfunc_end2:
_tile_overlayer_lowered:
.L_overlay_start_2:
0x3f: {  	(tag) =	ssettag $0x2  }
0x40: {  	s0 =	rddreg [dreg:$0x0];
	s2 =	stileid.u32  }
0x41: {  	s1 =	rddreg [dreg:$0x1];
	p0 =	sne.s32 s2, $0x0  }
0x42: {  	s3 =	rddreg [dreg:$0x2];
	[bflag:$0x3] =	sbarrier.arrive $0xFFFF;
	s2 =	simm.s32 @!p0 $0x1C03  }
0x43: {  	[timem:s3], [sflag:s2] =	dma.local @!p0 [hbm:s0], s1  }
0x44: {  	s0 =	simm.s32 @!p0 $0x3  }
0x45: {  	_ =	swait.ge @!p0 [sflag:s0], s1  }
0x46: {  	s1 =	ssub.s32 @!p0 $0x0, s1;
	[sflag:s0] =	ssyncset.done @!p0 $0x0  }
0x47: {  	[sflag:s0] =	ssyncadd.s32 @!p0 s1  }
0x48: {  	[bflag:$0x3] =	sbarrier.arrive $0xFFFF  }
0x49: {  	_ =	shalt  }

</sc_bundles>
